<compile_context>
chip_gen: v7x
topology: tpu7x:2x2x1
jax: 0.10.2.dev20260603
libtpu: 0.0.44.dev20260713+nightly
codegen_flags: <defaults>
</compile_context>

<pallas_src>
import functools
import math

import jax
import jax.numpy as jnp
from jax import lax
from jax.experimental import pallas as pl
from jax.experimental.pallas import tpu as pltpu
from jax.experimental.pallas import tpu_sc as plsc

NUM_CLASS = 1000
LOW_DIM = 128
MOCO_QUEUE = 32768
BATCH = 1024
INV_T = 10.0
PROTO_M = 0.999
LN_M = math.log(PROTO_M)

BLK = 2048
NBLK = MOCO_QUEUE // BLK
NSTEP = NBLK + 1

NSUB = 16
IPW = BATCH // NSUB
RPW = IPW
LAST_ROWS = NUM_CLASS - RPW * (NSUB - 1)


def _main_body(q_ref, k_ref, qb_ref, logits_ref, newq_ref, carry_ref):
    j = pl.program_id(0)
    qv = q_ref[...]
    qb = qb_ref[...]

    Qs = jnp.concatenate([carry_ref[...], qb[:, : BLK - 1]], axis=1)
    out = jnp.dot(qv, Qs, preferred_element_type=jnp.float32) * INV_T
    carry_ref[...] = qb[:, BLK - 1:]

    @pl.when(j == 0)
    def _():
        lpos = jnp.sum(qv * k_ref[...], axis=1, keepdims=True) * INV_T
        col = lax.broadcasted_iota(jnp.int32, (BATCH, BLK), 1)
        logits_ref[...] = jnp.where(col == 0, lpos, out)
        newq_ref[:, :BATCH] = k_ref[...].T
        newq_ref[:, BATCH:] = qb[:, BATCH:]

    @pl.when(j > 0)
    def _():
        logits_ref[...] = out
        newq_ref[...] = qb


def _prep_body(q_ref, protos_ref, trow_ref, tcol_ref,
               lproto_ref, wq_ref, pdec_ref):
    qv = q_ref[...]
    lproto_ref[...] = lax.dot_general(
        qv, protos_ref[...], (((1,), (1,)), ((), ())),
        preferred_element_type=jnp.float32) * INV_T

    t = trow_ref[...]
    tc = tcol_ref[...]
    eq = (tc == t)
    ii = lax.broadcasted_iota(jnp.int32, (BATCH, BATCH), 0)
    jj = lax.broadcasted_iota(jnp.int32, (BATCH, BATCH), 1)
    rank = jnp.sum(jnp.where(eq & (jj <= ii), 1.0, 0.0),
                   axis=1, keepdims=True)
    cnt = jnp.sum(jnp.where(eq, 1.0, 0.0), axis=1, keepdims=True)
    w = (1.0 - PROTO_M) * jnp.exp((cnt - rank) * LN_M)
    wq_ref[...] = qv * w

    cls = lax.broadcasted_iota(jnp.int32, (NUM_CLASS, BATCH), 0)
    hist = jnp.sum(jnp.where(cls == t, 1.0, 0.0), axis=1, keepdims=True)
    pdec_ref[...] = jnp.exp(hist * LN_M) * protos_ref[...]


_SC_MESH = plsc.VectorSubcoreMesh(core_axis_name="c", subcore_axis_name="s")


@functools.partial(
    pl.kernel,
    mesh=_SC_MESH,
    out_type=jax.ShapeDtypeStruct((NUM_CLASS, LOW_DIM), jnp.float32),
    scratch_types=[
        pltpu.VMEM((IPW, LOW_DIM), jnp.float32),
        pltpu.VMEM((IPW,), jnp.int32),
        pltpu.VMEM_SHARED((NUM_CLASS, LOW_DIM), jnp.float32),
    ],
)
def _sc_ema(wq_hbm, tgt_hbm, pdec_hbm, out_hbm, wqbuf, idxbuf, acc):
    sid = lax.axis_index("s")

    @pl.when(lax.axis_index("c") == 0)
    def _():
        base = sid * RPW

        @pl.when(sid < NSUB - 1)
        def _():
            pltpu.sync_copy(pdec_hbm.at[pl.ds(base, RPW), :],
                            acc.at[pl.ds(base, RPW), :])

        @pl.when(sid == NSUB - 1)
        def _():
            pltpu.sync_copy(pdec_hbm.at[pl.ds(base, LAST_ROWS), :],
                            acc.at[pl.ds(base, LAST_ROWS), :])

        pltpu.sync_copy(tgt_hbm.at[pl.ds(sid * IPW, IPW)], idxbuf)
        pltpu.sync_copy(wq_hbm.at[pl.ds(sid * IPW, IPW), :], wqbuf)
        plsc.subcore_barrier()
        pltpu.sync_copy(wqbuf, acc.at[idxbuf], add=True)
        plsc.subcore_barrier()

        @pl.when(sid < NSUB - 1)
        def _():
            pltpu.sync_copy(acc.at[pl.ds(base, RPW), :],
                            out_hbm.at[pl.ds(base, RPW), :])

        @pl.when(sid == NSUB - 1)
        def _():
            pltpu.sync_copy(acc.at[pl.ds(base, LAST_ROWS), :],
                            out_hbm.at[pl.ds(base, LAST_ROWS), :])


def _finalize_body(s_ref, out_ref):
    s = s_ref[...]
    norm = jnp.sqrt(jnp.sum(s * s, axis=1, keepdims=True))
    out_ref[...] = s / jnp.maximum(norm, 1e-12)


@functools.partial(jax.jit, static_argnames=())
def kernel(output, q, k, queue, prototypes, target):
    logits, new_queue = pl.pallas_call(
        _main_body,
        grid=(NSTEP,),
        in_specs=[
            pl.BlockSpec((BATCH, LOW_DIM), lambda j: (0, 0)),
            pl.BlockSpec((BATCH, LOW_DIM), lambda j: (0, 0)),
            pl.BlockSpec((LOW_DIM, BLK), lambda j: (0, jnp.minimum(j, NBLK - 1))),
        ],
        out_specs=[
            pl.BlockSpec((BATCH, BLK), lambda j: (0, j)),
            pl.BlockSpec((LOW_DIM, BLK), lambda j: (0, jnp.minimum(j, NBLK - 1))),
        ],
        out_shape=[
            jax.ShapeDtypeStruct((BATCH, MOCO_QUEUE + 1), jnp.float32),
            jax.ShapeDtypeStruct((LOW_DIM, MOCO_QUEUE), jnp.float32),
        ],
        scratch_shapes=[pltpu.VMEM((LOW_DIM, 1), jnp.float32)],
        compiler_params=pltpu.CompilerParams(
            dimension_semantics=("arbitrary",)),
    )(q, k, queue)

    logits_proto, wq, pdec = pl.pallas_call(
        _prep_body,
        in_specs=[
            pl.BlockSpec((BATCH, LOW_DIM), lambda: (0, 0)),
            pl.BlockSpec((NUM_CLASS, LOW_DIM), lambda: (0, 0)),
            pl.BlockSpec((1, BATCH), lambda: (0, 0)),
            pl.BlockSpec((BATCH, 1), lambda: (0, 0)),
        ],
        out_specs=[
            pl.BlockSpec((BATCH, NUM_CLASS), lambda: (0, 0)),
            pl.BlockSpec((BATCH, LOW_DIM), lambda: (0, 0)),
            pl.BlockSpec((NUM_CLASS, LOW_DIM), lambda: (0, 0)),
        ],
        out_shape=[
            jax.ShapeDtypeStruct((BATCH, NUM_CLASS), jnp.float32),
            jax.ShapeDtypeStruct((BATCH, LOW_DIM), jnp.float32),
            jax.ShapeDtypeStruct((NUM_CLASS, LOW_DIM), jnp.float32),
        ],
    )(q, prototypes, target.reshape(1, BATCH), target.reshape(BATCH, 1))

    s_acc = _sc_ema(wq, target, pdec)

    new_prototypes = pl.pallas_call(
        _finalize_body,
        in_specs=[pl.BlockSpec((NUM_CLASS, LOW_DIM), lambda: (0, 0))],
        out_specs=pl.BlockSpec((NUM_CLASS, LOW_DIM), lambda: (0, 0)),
        out_shape=jax.ShapeDtypeStruct((NUM_CLASS, LOW_DIM), jnp.float32),
    )(s_acc)

    inst_labels = jnp.zeros((BATCH,), dtype=jnp.int32)
    return (output, target, logits, inst_labels, logits_proto,
            new_queue, new_prototypes)

# --- scband reference (transcript-rebuilt; emitter-appended) ---
"""Pipeline reference for scband-mo-pro-39659728011353 (READ-ONLY COPY).

The authoritative reference and input builder live on the scoring server;
editing this copy changes nothing except your own understanding.
"""

import jax, jax.numpy as jnp
import numpy as np

NUM_CLASS = 1000
LOW_DIM = 128
MOCO_QUEUE = 32768
BATCH = 1024
TEMPERATURE = 0.1
PROTO_M = 0.999

def _l2norm(x, axis):
    return x / jnp.clip(jnp.linalg.norm(x, axis=axis, keepdims=True), 1e-12, None)

def setup_inputs(seed: int = 0) -> dict:
    key = jax.random.key(seed)
    k1, k2, k3, k4, k5, k6 = jax.random.split(key, 6)
    output = jax.random.normal(k1, (BATCH, NUM_CLASS), dtype=jnp.float32)
    q = _l2norm(jax.random.normal(k2, (BATCH, LOW_DIM), dtype=jnp.float32), axis=1)
    kf = _l2norm(jax.random.normal(k3, (BATCH, LOW_DIM), dtype=jnp.float32), axis=1)
    queue = _l2norm(jax.random.normal(k4, (LOW_DIM, MOCO_QUEUE), dtype=jnp.float32), axis=0)
    prototypes = _l2norm(jax.random.normal(k5, (NUM_CLASS, LOW_DIM), dtype=jnp.float32), axis=1)
    target = jax.random.randint(k6, (BATCH,), 0, NUM_CLASS, dtype=jnp.int32)
    return {"output": output, "q": q, "k": kf, "queue": queue, "prototypes": prototypes, "target": target}

def reference(output, q, k, queue, prototypes, target):
    # Single-worker semantics: concat_all_gather == identity, shuffle/unshuffle cancel.
    # Contrastive logits (MoCo)
    l_pos = jnp.sum(q * k, axis=1, keepdims=True)
    l_neg = jnp.matmul(q, queue)
    logits = jnp.concatenate([l_pos, l_neg], axis=1) / TEMPERATURE
    inst_labels = jnp.zeros((logits.shape[0],), dtype=jnp.int32)
    # _dequeue_and_enqueue with ptr=0: scatter-overwrite a column block of the queue
    new_queue = queue.at[:, 0:k.shape[0]].set(k.T)
    # Prototype logits (is_proto=True)
    logits_proto = jnp.matmul(q, prototypes.T) / TEMPERATURE
    # Sequential EMA prototype update (is_clean=False branch): scatter into class rows
    def body(protos, xs):
        feat, label = xs
        updated = protos[label] * PROTO_M + (1.0 - PROTO_M) * feat
        return protos.at[label].set(updated), None
    new_prototypes, _ = jax.lax.scan(body, prototypes, (q, target))
    new_prototypes = _l2norm(new_prototypes, axis=1)
    return (output, target, logits, inst_labels, logits_proto, new_queue, new_prototypes)

if __name__ == "__main__":
    import jax
    _d = setup_inputs()
    print(jax.jit(kernel)(*tuple(_d.values())))

</pallas_src>

<mosaic_0001>
#map = affine_map<(d0, d1) -> (0, 0)>
#map1 = affine_map<(d0, d1) -> (0)>
module attributes {stable_mosaic.version = 14 : i64} {
  func.func @_sc_ema(%arg0: i32, %arg1: i32, %arg2: memref<1024x128xf32, #tpu.memory_space<hbm>>, %arg3: memref<1024xi32, #tpu.memory_space<hbm>>, %arg4: memref<1000x128xf32, #tpu.memory_space<hbm>>, %arg5: memref<1000x128xf32, #tpu.memory_space<hbm>>, %arg6: memref<64x128xf32, #tpu.memory_space<vmem>>, %arg7: memref<64xi32, #tpu.memory_space<vmem>>, %arg8: memref<1000x128xf32, #tpu.memory_space<vmem_shared>>) attributes {dimension_semantics = [#tpu.dimension_semantics<core_parallel>, #tpu.dimension_semantics<subcore_parallel>], iteration_bounds = array<i64: 2, 16>, scalar_prefetch = 0 : i64, scratch_operands = 3 : i64, tpu.core_type = #tpu.core_type<sc_vector_subcore>, window_params = [{transform_indices = #map}, {transform_indices = #map1}, {transform_indices = #map}, {transform_indices = #map}]} {
    %eq3A = arith.constant 0 : i32
    %eq3A_0 = arith.cmpi eq, %arg0, %eq3A : i32
    %convert_element_type3A = arith.extui %eq3A_0 : i1 to i32
    %cond3A = arith.constant 0 : i32
    %cond3A_1 = arith.cmpi ne, %convert_element_type3A, %cond3A : i32
    scf.if %cond3A_1 {
      %mul3A = arith.constant 64 : i32
      %mul3A_2 = arith.muli %arg1, %mul3A : i32
      %lt3A = arith.constant 15 : i32
      %lt3A_3 = arith.cmpi slt, %arg1, %lt3A : i32
      %convert_element_type3A_4 = arith.extui %lt3A_3 : i1 to i32
      %cond3A_5 = arith.constant 0 : i32
      %cond3A_6 = arith.cmpi ne, %convert_element_type3A_4, %cond3A_5 : i32
      scf.if %cond3A_6 {
        "tpu.region"() ({
          %run_scoped3A = tpu.sem_alloc : memref<!tpu.dma_semaphore, #tpu.memory_space<semaphore_mem>>
          %dma_start3A = arith.constant 0 : i32
          %dma_start3A_27 = tpu.memref_slice %arg8[%mul3A_2, %dma_start3A] : memref<1000x128xf32, #tpu.memory_space<vmem_shared>> -> memref<64x128xf32, #tpu.memory_space<vmem_shared>>
          %dma_start3A_28 = arith.constant 0 : i32
          %dma_start3A_29 = tpu.memref_slice %arg4[%mul3A_2, %dma_start3A_28] : memref<1000x128xf32, #tpu.memory_space<hbm>> -> memref<64x128xf32, #tpu.memory_space<hbm>>
          tpu.enqueue_dma source(%dma_start3A_29 : memref<64x128xf32, #tpu.memory_space<hbm>>) target(%dma_start3A_27 : memref<64x128xf32, #tpu.memory_space<vmem_shared>>) target_semaphore(%run_scoped3A : memref<!tpu.dma_semaphore, #tpu.memory_space<semaphore_mem>>)
          %dma_wait3A = arith.constant 0 : i32
          %dma_wait3A_30 = tpu.memref_slice %arg8[%mul3A_2, %dma_wait3A] : memref<1000x128xf32, #tpu.memory_space<vmem_shared>> -> memref<64x128xf32, #tpu.memory_space<vmem_shared>>
          %dma_wait3A_31 = arith.constant 0 : i32
          %dma_wait3A_32 = tpu.memref_slice %arg4[%mul3A_2, %dma_wait3A_31] : memref<1000x128xf32, #tpu.memory_space<hbm>> -> memref<64x128xf32, #tpu.memory_space<hbm>>
          tpu.wait_dma2 semaphore(%run_scoped3A : memref<!tpu.dma_semaphore, #tpu.memory_space<semaphore_mem>>) src(%dma_wait3A_32 : memref<64x128xf32, #tpu.memory_space<hbm>>) dst(%dma_wait3A_30 : memref<64x128xf32, #tpu.memory_space<vmem_shared>>)
          tpu.yield
        }) : () -> ()
      } else {
      }
      %eq3A_7 = arith.constant 15 : i32
      %eq3A_8 = arith.cmpi eq, %arg1, %eq3A_7 : i32
      %convert_element_type3A_9 = arith.extui %eq3A_8 : i1 to i32
      %cond3A_10 = arith.constant 0 : i32
      %cond3A_11 = arith.cmpi ne, %convert_element_type3A_9, %cond3A_10 : i32
      scf.if %cond3A_11 {
        "tpu.region"() ({
          %run_scoped3A = tpu.sem_alloc : memref<!tpu.dma_semaphore, #tpu.memory_space<semaphore_mem>>
          %dma_start3A = arith.constant 0 : i32
          %dma_start3A_27 = tpu.memref_slice %arg8[%mul3A_2, %dma_start3A] : memref<1000x128xf32, #tpu.memory_space<vmem_shared>> -> memref<40x128xf32, #tpu.memory_space<vmem_shared>>
          %dma_start3A_28 = arith.constant 0 : i32
          %dma_start3A_29 = tpu.memref_slice %arg4[%mul3A_2, %dma_start3A_28] : memref<1000x128xf32, #tpu.memory_space<hbm>> -> memref<40x128xf32, #tpu.memory_space<hbm>>
          tpu.enqueue_dma source(%dma_start3A_29 : memref<40x128xf32, #tpu.memory_space<hbm>>) target(%dma_start3A_27 : memref<40x128xf32, #tpu.memory_space<vmem_shared>>) target_semaphore(%run_scoped3A : memref<!tpu.dma_semaphore, #tpu.memory_space<semaphore_mem>>)
          %dma_wait3A = arith.constant 0 : i32
          %dma_wait3A_30 = tpu.memref_slice %arg8[%mul3A_2, %dma_wait3A] : memref<1000x128xf32, #tpu.memory_space<vmem_shared>> -> memref<40x128xf32, #tpu.memory_space<vmem_shared>>
          %dma_wait3A_31 = arith.constant 0 : i32
          %dma_wait3A_32 = tpu.memref_slice %arg4[%mul3A_2, %dma_wait3A_31] : memref<1000x128xf32, #tpu.memory_space<hbm>> -> memref<40x128xf32, #tpu.memory_space<hbm>>
          tpu.wait_dma2 semaphore(%run_scoped3A : memref<!tpu.dma_semaphore, #tpu.memory_space<semaphore_mem>>) src(%dma_wait3A_32 : memref<40x128xf32, #tpu.memory_space<hbm>>) dst(%dma_wait3A_30 : memref<40x128xf32, #tpu.memory_space<vmem_shared>>)
          tpu.yield
        }) : () -> ()
      } else {
      }
      %mul3A_12 = arith.constant 64 : i32
      %mul3A_13 = arith.muli %arg1, %mul3A_12 : i32
      "tpu.region"() ({
        %run_scoped3A = tpu.sem_alloc : memref<!tpu.dma_semaphore, #tpu.memory_space<semaphore_mem>>
        %dma_start3A = tpu.memref_slice %arg3[%mul3A_13] : memref<1024xi32, #tpu.memory_space<hbm>> -> memref<64xi32, #tpu.memory_space<hbm>>
        %dma_start3A_27 = tpu.memref_slice %arg3[%mul3A_13] : memref<1024xi32, #tpu.memory_space<hbm>> -> memref<64xi32, #tpu.memory_space<hbm>>
        tpu.enqueue_dma source(%dma_start3A_27 : memref<64xi32, #tpu.memory_space<hbm>>) target(%arg7 : memref<64xi32, #tpu.memory_space<vmem>>) target_semaphore(%run_scoped3A : memref<!tpu.dma_semaphore, #tpu.memory_space<semaphore_mem>>)
        %dma_wait3A = tpu.memref_slice %arg3[%mul3A_13] : memref<1024xi32, #tpu.memory_space<hbm>> -> memref<64xi32, #tpu.memory_space<hbm>>
        %dma_wait3A_28 = tpu.memref_slice %arg3[%mul3A_13] : memref<1024xi32, #tpu.memory_space<hbm>> -> memref<64xi32, #tpu.memory_space<hbm>>
        tpu.wait_dma2 semaphore(%run_scoped3A : memref<!tpu.dma_semaphore, #tpu.memory_space<semaphore_mem>>) src(%dma_wait3A_28 : memref<64xi32, #tpu.memory_space<hbm>>) dst(%arg7 : memref<64xi32, #tpu.memory_space<vmem>>)
        tpu.yield
      }) : () -> ()
      %mul3A_14 = arith.constant 64 : i32
      %mul3A_15 = arith.muli %arg1, %mul3A_14 : i32
      "tpu.region"() ({
        %run_scoped3A = tpu.sem_alloc : memref<!tpu.dma_semaphore, #tpu.memory_space<semaphore_mem>>
        %dma_start3A = arith.constant 0 : i32
        %dma_start3A_27 = tpu.memref_slice %arg2[%mul3A_15, %dma_start3A] : memref<1024x128xf32, #tpu.memory_space<hbm>> -> memref<64x128xf32, #tpu.memory_space<hbm>>
        %dma_start3A_28 = arith.constant 0 : i32
        %dma_start3A_29 = tpu.memref_slice %arg2[%mul3A_15, %dma_start3A_28] : memref<1024x128xf32, #tpu.memory_space<hbm>> -> memref<64x128xf32, #tpu.memory_space<hbm>>
        tpu.enqueue_dma source(%dma_start3A_29 : memref<64x128xf32, #tpu.memory_space<hbm>>) target(%arg6 : memref<64x128xf32, #tpu.memory_space<vmem>>) target_semaphore(%run_scoped3A : memref<!tpu.dma_semaphore, #tpu.memory_space<semaphore_mem>>)
        %dma_wait3A = arith.constant 0 : i32
        %dma_wait3A_30 = tpu.memref_slice %arg2[%mul3A_15, %dma_wait3A] : memref<1024x128xf32, #tpu.memory_space<hbm>> -> memref<64x128xf32, #tpu.memory_space<hbm>>
        %dma_wait3A_31 = arith.constant 0 : i32
        %dma_wait3A_32 = tpu.memref_slice %arg2[%mul3A_15, %dma_wait3A_31] : memref<1024x128xf32, #tpu.memory_space<hbm>> -> memref<64x128xf32, #tpu.memory_space<hbm>>
        tpu.wait_dma2 semaphore(%run_scoped3A : memref<!tpu.dma_semaphore, #tpu.memory_space<semaphore_mem>>) src(%dma_wait3A_32 : memref<64x128xf32, #tpu.memory_space<hbm>>) dst(%arg6 : memref<64x128xf32, #tpu.memory_space<vmem>>)
        tpu.yield
      }) : () -> ()
      %barrier3A = arith.constant 0 : index
      tpu.barrier barrier_id(%barrier3A)
      "tpu.region"() ({
        %run_scoped3A = tpu.sem_alloc : memref<!tpu.dma_semaphore, #tpu.memory_space<semaphore_mem>>
        %dma_start3A = arith.constant 0 : i32
        %dma_start3A_27 = arith.constant 0 : i32
        %dma_start3A_28 = tpu.memref_slice %arg8[%dma_start3A, %dma_start3A_27] : memref<1000x128xf32, #tpu.memory_space<vmem_shared>> -> memref<1000x128xf32, #tpu.memory_space<vmem_shared>>
        tpu.enqueue_indirect_dma source(%arg6 : memref<64x128xf32, #tpu.memory_space<vmem>>) target(%dma_start3A_28 : memref<1000x128xf32, #tpu.memory_space<vmem_shared>>) offsets(%arg7 : memref<64xi32, #tpu.memory_space<vmem>>) semaphore(%run_scoped3A : memref<!tpu.dma_semaphore, #tpu.memory_space<semaphore_mem>>) {add = true}
        %dma_wait3A = arith.constant 0 : i32
        %dma_wait3A_29 = arith.constant 0 : i32
        %dma_wait3A_30 = tpu.memref_slice %arg8[%dma_wait3A, %dma_wait3A_29] : memref<1000x128xf32, #tpu.memory_space<vmem_shared>> -> memref<1000x128xf32, #tpu.memory_space<vmem_shared>>
        tpu.wait_indirect_dma semaphore(%run_scoped3A : memref<!tpu.dma_semaphore, #tpu.memory_space<semaphore_mem>>) src(%arg6 : memref<64x128xf32, #tpu.memory_space<vmem>>) dst(%dma_wait3A_30 : memref<1000x128xf32, #tpu.memory_space<vmem_shared>>)
        tpu.yield
      }) : () -> ()
      %barrier3A_16 = arith.constant 0 : index
      tpu.barrier barrier_id(%barrier3A_16)
      %lt3A_17 = arith.constant 15 : i32
      %lt3A_18 = arith.cmpi slt, %arg1, %lt3A_17 : i32
      %convert_element_type3A_19 = arith.extui %lt3A_18 : i1 to i32
      %cond3A_20 = arith.constant 0 : i32
      %cond3A_21 = arith.cmpi ne, %convert_element_type3A_19, %cond3A_20 : i32
      scf.if %cond3A_21 {
        "tpu.region"() ({
          %run_scoped3A = tpu.sem_alloc : memref<!tpu.dma_semaphore, #tpu.memory_space<semaphore_mem>>
          %dma_start3A = arith.constant 0 : i32
          %dma_start3A_27 = tpu.memref_slice %arg5[%mul3A_2, %dma_start3A] : memref<1000x128xf32, #tpu.memory_space<hbm>> -> memref<64x128xf32, #tpu.memory_space<hbm>>
          %dma_start3A_28 = arith.constant 0 : i32
          %dma_start3A_29 = tpu.memref_slice %arg8[%mul3A_2, %dma_start3A_28] : memref<1000x128xf32, #tpu.memory_space<vmem_shared>> -> memref<64x128xf32, #tpu.memory_space<vmem_shared>>
          tpu.enqueue_dma source(%dma_start3A_29 : memref<64x128xf32, #tpu.memory_space<vmem_shared>>) target(%dma_start3A_27 : memref<64x128xf32, #tpu.memory_space<hbm>>) target_semaphore(%run_scoped3A : memref<!tpu.dma_semaphore, #tpu.memory_space<semaphore_mem>>)
          %dma_wait3A = arith.constant 0 : i32
          %dma_wait3A_30 = tpu.memref_slice %arg5[%mul3A_2, %dma_wait3A] : memref<1000x128xf32, #tpu.memory_space<hbm>> -> memref<64x128xf32, #tpu.memory_space<hbm>>
          %dma_wait3A_31 = arith.constant 0 : i32
          %dma_wait3A_32 = tpu.memref_slice %arg8[%mul3A_2, %dma_wait3A_31] : memref<1000x128xf32, #tpu.memory_space<vmem_shared>> -> memref<64x128xf32, #tpu.memory_space<vmem_shared>>
          tpu.wait_dma2 semaphore(%run_scoped3A : memref<!tpu.dma_semaphore, #tpu.memory_space<semaphore_mem>>) src(%dma_wait3A_32 : memref<64x128xf32, #tpu.memory_space<vmem_shared>>) dst(%dma_wait3A_30 : memref<64x128xf32, #tpu.memory_space<hbm>>)
          tpu.yield
        }) : () -> ()
      } else {
      }
      %eq3A_22 = arith.constant 15 : i32
      %eq3A_23 = arith.cmpi eq, %arg1, %eq3A_22 : i32
      %convert_element_type3A_24 = arith.extui %eq3A_23 : i1 to i32
      %cond3A_25 = arith.constant 0 : i32
      %cond3A_26 = arith.cmpi ne, %convert_element_type3A_24, %cond3A_25 : i32
      scf.if %cond3A_26 {
        "tpu.region"() ({
          %run_scoped3A = tpu.sem_alloc : memref<!tpu.dma_semaphore, #tpu.memory_space<semaphore_mem>>
          %dma_start3A = arith.constant 0 : i32
          %dma_start3A_27 = tpu.memref_slice %arg5[%mul3A_2, %dma_start3A] : memref<1000x128xf32, #tpu.memory_space<hbm>> -> memref<40x128xf32, #tpu.memory_space<hbm>>
          %dma_start3A_28 = arith.constant 0 : i32
          %dma_start3A_29 = tpu.memref_slice %arg8[%mul3A_2, %dma_start3A_28] : memref<1000x128xf32, #tpu.memory_space<vmem_shared>> -> memref<40x128xf32, #tpu.memory_space<vmem_shared>>
          tpu.enqueue_dma source(%dma_start3A_29 : memref<40x128xf32, #tpu.memory_space<vmem_shared>>) target(%dma_start3A_27 : memref<40x128xf32, #tpu.memory_space<hbm>>) target_semaphore(%run_scoped3A : memref<!tpu.dma_semaphore, #tpu.memory_space<semaphore_mem>>)
          %dma_wait3A = arith.constant 0 : i32
          %dma_wait3A_30 = tpu.memref_slice %arg5[%mul3A_2, %dma_wait3A] : memref<1000x128xf32, #tpu.memory_space<hbm>> -> memref<40x128xf32, #tpu.memory_space<hbm>>
          %dma_wait3A_31 = arith.constant 0 : i32
          %dma_wait3A_32 = tpu.memref_slice %arg8[%mul3A_2, %dma_wait3A_31] : memref<1000x128xf32, #tpu.memory_space<vmem_shared>> -> memref<40x128xf32, #tpu.memory_space<vmem_shared>>
          tpu.wait_dma2 semaphore(%run_scoped3A : memref<!tpu.dma_semaphore, #tpu.memory_space<semaphore_mem>>) src(%dma_wait3A_32 : memref<40x128xf32, #tpu.memory_space<vmem_shared>>) dst(%dma_wait3A_30 : memref<40x128xf32, #tpu.memory_space<hbm>>)
          tpu.yield
        }) : () -> ()
      } else {
      }
    } else {
    }
    return
  }
}

module attributes {stable_mosaic.version = 14 : i64} {
  func.func @_prep_body(%arg0: memref<1024x128xf32, #tpu.memory_space<vmem>>, %arg1: memref<1000x128xf32, #tpu.memory_space<vmem>>, %arg2: memref<1x1024xi32, #tpu.memory_space<vmem>>, %arg3: memref<1024x1xi32, #tpu.memory_space<vmem>>, %arg4: memref<1024x1000xf32, #tpu.memory_space<vmem>>, %arg5: memref<1024x128xf32, #tpu.memory_space<vmem>>, %arg6: memref<1000x128xf32, #tpu.memory_space<vmem>>) attributes {dimension_semantics = [], scalar_prefetch = 0 : i64, scratch_operands = 0 : i64, tpu.core_type = #tpu.core_type<tc>} {
    %get3A = arith.constant 0 : index
    %get3A_0 = arith.constant 0 : index
    %get3A_1 = vector.load %arg0[%get3A, %get3A_0] : memref<1024x128xf32, #tpu.memory_space<vmem>>, vector<1024x128xf32>
    %get3A_2 = arith.constant 0 : index
    %get3A_3 = arith.constant 0 : index
    %get3A_4 = vector.load %arg1[%get3A_2, %get3A_3] : memref<1000x128xf32, #tpu.memory_space<vmem>>, vector<1000x128xf32>
    %dot_general3A = arith.constant dense<0.000000e+00> : vector<1024x1000xf32>
    %dot_general3A_5 = tpu.matmul %get3A_1, %get3A_4, %dot_general3A {dimension_numbers = #tpu.dot_dimension_numbers<[1], [1], [0], [0], [0, 0, 1, 0], [], []>, transpose_lhs_hint = false} : vector<1024x128xf32>, vector<1000x128xf32>, vector<1024x1000xf32> -> vector<1024x1000xf32>
    %mul3A = arith.constant 1.000000e+01 : f32
    %mul3A_6 = vector.broadcast %mul3A : f32 to vector<1024x1000xf32>
    %mul3A_7 = arith.mulf %dot_general3A_5, %mul3A_6 : vector<1024x1000xf32>
    %swap3A = arith.constant 0 : index
    %swap3A_8 = arith.constant 0 : index
    %swap3A_9 = vector.load %arg4[%swap3A, %swap3A_8] : memref<1024x1000xf32, #tpu.memory_space<vmem>>, vector<1024x1000xf32>
    tpu.vector_store %arg4[%swap3A, %swap3A_8], %mul3A_7 {strides = array<i32>} : memref<1024x1000xf32, #tpu.memory_space<vmem>>, vector<1024x1000xf32>,
    %get3A_10 = arith.constant 0 : index
    %get3A_11 = arith.constant 0 : index
    %get3A_12 = vector.load %arg2[%get3A_10, %get3A_11] : memref<1x1024xi32, #tpu.memory_space<vmem>>, vector<1x1024xi32>
    %get3A_13 = arith.constant 0 : index
    %get3A_14 = arith.constant 0 : index
    %get3A_15 = vector.load %arg3[%get3A_13, %get3A_14] : memref<1024x1xi32, #tpu.memory_space<vmem>>, vector<1024x1xi32>
    %eq3A = vector.broadcast %get3A_15 : vector<1024x1xi32> to vector<1024x1024xi32>
    %eq3A_16 = vector.broadcast %get3A_12 : vector<1x1024xi32> to vector<1024x1024xi32>
    %eq3A_17 = arith.cmpi eq, %eq3A, %eq3A_16 : vector<1024x1024xi32>
    %iota3A = tpu.iota {dimensions = array<i32: 0>} : vector<1024x1024xi32>
    %iota3A_18 = tpu.iota {dimensions = array<i32: 1>} : vector<1024x1024xi32>
    %le3A = arith.cmpi sle, %iota3A_18, %iota3A : vector<1024x1024xi32>
    %and3A = arith.andi %eq3A_17, %le3A : vector<1024x1024xi1>
    %jit3A = arith.constant 1.000000e+00 : f32
    %jit3A_19 = arith.constant 0.000000e+00 : f32
    %broadcast_in_dim3A = vector.broadcast %jit3A : f32 to vector<1024x1024xf32>
    %broadcast_in_dim3A_20 = vector.broadcast %jit3A_19 : f32 to vector<1024x1024xf32>
    %select_n3A = arith.select %and3A, %broadcast_in_dim3A, %broadcast_in_dim3A_20 : vector<1024x1024xi1>, vector<1024x1024xf32>
    %reduce_sum3A = arith.constant dense<0.000000e+00> : vector<1024xf32>
    %reduce_sum3A_21 = vector.multi_reduction <add>, %select_n3A, %reduce_sum3A [1] : vector<1024x1024xf32> to vector<1024xf32>
    %broadcast_in_dim3A_22 = vector.shape_cast %reduce_sum3A_21 : vector<1024xf32> to vector<1024x1xf32>
    %jit3A_23 = arith.constant 1.000000e+00 : f32
    %jit3A_24 = arith.constant 0.000000e+00 : f32
    %broadcast_in_dim3A_25 = vector.broadcast %jit3A_23 : f32 to vector<1024x1024xf32>
    %broadcast_in_dim3A_26 = vector.broadcast %jit3A_24 : f32 to vector<1024x1024xf32>
    %select_n3A_27 = arith.select %eq3A_17, %broadcast_in_dim3A_25, %broadcast_in_dim3A_26 : vector<1024x1024xi1>, vector<1024x1024xf32>
    %reduce_sum3A_28 = arith.constant dense<0.000000e+00> : vector<1024xf32>
    %reduce_sum3A_29 = vector.multi_reduction <add>, %select_n3A_27, %reduce_sum3A_28 [1] : vector<1024x1024xf32> to vector<1024xf32>
    %broadcast_in_dim3A_30 = vector.shape_cast %reduce_sum3A_29 : vector<1024xf32> to vector<1024x1xf32>
    %sub3A = arith.subf %broadcast_in_dim3A_30, %broadcast_in_dim3A_22 : vector<1024x1xf32>
    %mul3A_31 = arith.constant -0.00100050028 : f32
    %mul3A_32 = vector.broadcast %mul3A_31 : f32 to vector<1024x1xf32>
    %mul3A_33 = arith.mulf %sub3A, %mul3A_32 : vector<1024x1xf32>
    %exp3A = math.exp %mul3A_33 : vector<1024x1xf32>
    %mul3A_34 = arith.constant 1.000000e-03 : f32
    %mul3A_35 = vector.broadcast %mul3A_34 : f32 to vector<1024x1xf32>
    %mul3A_36 = arith.mulf %mul3A_35, %exp3A : vector<1024x1xf32>
    %mul3A_37 = vector.broadcast %mul3A_36 : vector<1024x1xf32> to vector<1024x128xf32>
    %mul3A_38 = arith.mulf %get3A_1, %mul3A_37 : vector<1024x128xf32>
    %swap3A_39 = arith.constant 0 : index
    %swap3A_40 = arith.constant 0 : index
    %swap3A_41 = vector.load %arg5[%swap3A_39, %swap3A_40] : memref<1024x128xf32, #tpu.memory_space<vmem>>, vector<1024x128xf32>
    tpu.vector_store %arg5[%swap3A_39, %swap3A_40], %mul3A_38 {strides = array<i32>} : memref<1024x128xf32, #tpu.memory_space<vmem>>, vector<1024x128xf32>,
    %iota3A_42 = tpu.iota {dimensions = array<i32: 0>} : vector<1000x1024xi32>
    %eq3A_43 = vector.broadcast %get3A_12 : vector<1x1024xi32> to vector<1000x1024xi32>
    %eq3A_44 = arith.cmpi eq, %iota3A_42, %eq3A_43 : vector<1000x1024xi32>
    %jit3A_45 = arith.constant 1.000000e+00 : f32
    %jit3A_46 = arith.constant 0.000000e+00 : f32
    %broadcast_in_dim3A_47 = vector.broadcast %jit3A_45 : f32 to vector<1000x1024xf32>
    %broadcast_in_dim3A_48 = vector.broadcast %jit3A_46 : f32 to vector<1000x1024xf32>
    %select_n3A_49 = arith.select %eq3A_44, %broadcast_in_dim3A_47, %broadcast_in_dim3A_48 : vector<1000x1024xi1>, vector<1000x1024xf32>
    %reduce_sum3A_50 = arith.constant dense<0.000000e+00> : vector<1000xf32>
    %reduce_sum3A_51 = vector.multi_reduction <add>, %select_n3A_49, %reduce_sum3A_50 [1] : vector<1000x1024xf32> to vector<1000xf32>
    %broadcast_in_dim3A_52 = vector.shape_cast %reduce_sum3A_51 : vector<1000xf32> to vector<1000x1xf32>
    %mul3A_53 = arith.constant -0.00100050028 : f32
    %mul3A_54 = vector.broadcast %mul3A_53 : f32 to vector<1000x1xf32>
    %mul3A_55 = arith.mulf %broadcast_in_dim3A_52, %mul3A_54 : vector<1000x1xf32>
    %exp3A_56 = math.exp %mul3A_55 : vector<1000x1xf32>
    %get3A_57 = arith.constant 0 : index
    %get3A_58 = arith.constant 0 : index
    %get3A_59 = vector.load %arg1[%get3A_57, %get3A_58] : memref<1000x128xf32, #tpu.memory_space<vmem>>, vector<1000x128xf32>
    %mul3A_60 = vector.broadcast %exp3A_56 : vector<1000x1xf32> to vector<1000x128xf32>
    %mul3A_61 = arith.mulf %mul3A_60, %get3A_59 : vector<1000x128xf32>
    %swap3A_62 = arith.constant 0 : index
    %swap3A_63 = arith.constant 0 : index
    %swap3A_64 = vector.load %arg6[%swap3A_62, %swap3A_63] : memref<1000x128xf32, #tpu.memory_space<vmem>>, vector<1000x128xf32>
    tpu.vector_store %arg6[%swap3A_62, %swap3A_63], %mul3A_61 {strides = array<i32>} : memref<1000x128xf32, #tpu.memory_space<vmem>>, vector<1000x128xf32>,
    return
  }
}

module attributes {stable_mosaic.version = 14 : i64} {
  func.func @_main_body(%arg0: i32, %arg1: memref<1024x128xf32, #tpu.memory_space<vmem>>, %arg2: memref<1024x128xf32, #tpu.memory_space<vmem>>, %arg3: memref<128x2048xf32, #tpu.memory_space<vmem>>, %arg4: memref<1024x2048xf32, #tpu.memory_space<vmem>>, %arg5: memref<128x2048xf32, #tpu.memory_space<vmem>>, %arg6: memref<128x1xf32, #tpu.memory_space<vmem>>) attributes {dimension_semantics = [#tpu.dimension_semantics<arbitrary>], iteration_bounds = array<i64: 17>, scalar_prefetch = 0 : i64, scratch_operands = 1 : i64, tpu.core_type = #tpu.core_type<tc>, window_params = [{pipeline_mode = #tpu.pipeline_mode<synchronous>, transform_indices = @transform_0, window_bounds = array<i64: 1024, 128>}, {pipeline_mode = #tpu.pipeline_mode<synchronous>, transform_indices = @transform_1, window_bounds = array<i64: 1024, 128>}, {transform_indices = @transform_2, window_bounds = array<i64: 128, 2048>}, {transform_indices = @transform_3, window_bounds = array<i64: 1024, 2048>}, {transform_indices = @transform_4, window_bounds = array<i64: 128, 2048>}]} {
    %get3A = arith.constant 0 : index
    %get3A_0 = arith.constant 0 : index
    %get3A_1 = vector.load %arg1[%get3A, %get3A_0] : memref<1024x128xf32, #tpu.memory_space<vmem>>, vector<1024x128xf32>
    %get3A_2 = arith.constant 0 : index
    %get3A_3 = arith.constant 0 : index
    %get3A_4 = vector.load %arg3[%get3A_2, %get3A_3] : memref<128x2048xf32, #tpu.memory_space<vmem>>, vector<128x2048xf32>
    %get3A_5 = arith.constant 0 : index
    %get3A_6 = arith.constant 0 : index
    %get3A_7 = vector.load %arg6[%get3A_5, %get3A_6] : memref<128x1xf32, #tpu.memory_space<vmem>>, vector<128x1xf32>
    %slice3A = vector.extract_strided_slice %get3A_4 {offsets = [0, 0], sizes = [128, 2047], strides = [1, 1]} : vector<128x2048xf32> to vector<128x2047xf32>
    %concatenate3A = tpu.concatenate %get3A_7, %slice3A in 1 : vector<128x1xf32>, vector<128x2047xf32> -> vector<128x2048xf32>
    %dot_general3A = arith.constant dense<0.000000e+00> : vector<1024x2048xf32>
    %dot_general3A_8 = tpu.matmul %get3A_1, %concatenate3A, %dot_general3A {dimension_numbers = #tpu.dot_dimension_numbers<[1], [0], [0], [1], [0, 0, 1, 1], [], []>, transpose_lhs_hint = false} : vector<1024x128xf32>, vector<128x2048xf32>, vector<1024x2048xf32> -> vector<1024x2048xf32>
    %mul3A = arith.constant 1.000000e+01 : f32
    %mul3A_9 = vector.broadcast %mul3A : f32 to vector<1024x2048xf32>
    %mul3A_10 = arith.mulf %dot_general3A_8, %mul3A_9 : vector<1024x2048xf32>
    %slice3A_11 = vector.extract_strided_slice %get3A_4 {offsets = [0, 2047], sizes = [128, 1], strides = [1, 1]} : vector<128x2048xf32> to vector<128x1xf32>
    %swap3A = arith.constant 0 : index
    %swap3A_12 = arith.constant 0 : index
    %swap3A_13 = vector.load %arg6[%swap3A, %swap3A_12] : memref<128x1xf32, #tpu.memory_space<vmem>>, vector<128x1xf32>
    tpu.vector_store %arg6[%swap3A, %swap3A_12], %slice3A_11 {strides = array<i32>} : memref<128x1xf32, #tpu.memory_space<vmem>>, vector<128x1xf32>,
    %eq3A = arith.constant 0 : i32
    %eq3A_14 = arith.cmpi eq, %arg0, %eq3A : i32
    %convert_element_type3A = arith.extui %eq3A_14 : i1 to i32
    %cond3A = arith.constant 0 : i32
    %cond3A_15 = arith.cmpi ne, %convert_element_type3A, %cond3A : i32
    scf.if %cond3A_15 {
      %get3A_20 = arith.constant 0 : index
      %get3A_21 = arith.constant 0 : index
      %get3A_22 = vector.load %arg2[%get3A_20, %get3A_21] : memref<1024x128xf32, #tpu.memory_space<vmem>>, vector<1024x128xf32>
      %mul3A_23 = arith.mulf %get3A_1, %get3A_22 : vector<1024x128xf32>
      %reduce_sum3A = arith.constant dense<0.000000e+00> : vector<1024xf32>
      %reduce_sum3A_24 = vector.multi_reduction <add>, %mul3A_23, %reduce_sum3A [1] : vector<1024x128xf32> to vector<1024xf32>
      %broadcast_in_dim3A = vector.shape_cast %reduce_sum3A_24 : vector<1024xf32> to vector<1024x1xf32>
      %mul3A_25 = arith.constant 1.000000e+01 : f32
      %mul3A_26 = vector.broadcast %mul3A_25 : f32 to vector<1024x1xf32>
      %mul3A_27 = arith.mulf %broadcast_in_dim3A, %mul3A_26 : vector<1024x1xf32>
      %iota3A = tpu.iota {dimensions = array<i32: 1>} : vector<1024x2048xi32>
      %eq3A_28 = arith.constant 0 : i32
      %eq3A_29 = vector.broadcast %eq3A_28 : i32 to vector<1024x2048xi32>
      %eq3A_30 = arith.cmpi eq, %iota3A, %eq3A_29 : vector<1024x2048xi32>
      %broadcast_in_dim3A_31 = vector.shape_cast %mul3A_27 : vector<1024x1xf32> to vector<1024x1xf32>
      %broadcast_in_dim3A_32 = vector.broadcast %broadcast_in_dim3A_31 : vector<1024x1xf32> to vector<1024x2048xf32>
      %select_n3A = arith.select %eq3A_30, %broadcast_in_dim3A_32, %mul3A_10 : vector<1024x2048xi1>, vector<1024x2048xf32>
      %swap3A_33 = arith.constant 0 : index
      %swap3A_34 = arith.constant 0 : index
      %swap3A_35 = vector.load %arg4[%swap3A_33, %swap3A_34] : memref<1024x2048xf32, #tpu.memory_space<vmem>>, vector<1024x2048xf32>
      tpu.vector_store %arg4[%swap3A_33, %swap3A_34], %select_n3A {strides = array<i32>} : memref<1024x2048xf32, #tpu.memory_space<vmem>>, vector<1024x2048xf32>,
      %get3A_36 = arith.constant 0 : index
      %get3A_37 = arith.constant 0 : index
      %get3A_38 = vector.load %arg2[%get3A_36, %get3A_37] : memref<1024x128xf32, #tpu.memory_space<vmem>>, vector<1024x128xf32>
      %transpose3A = tpu.transpose %get3A_38, [1, 0] : vector<1024x128xf32> -> vector<128x1024xf32>
      %swap3A_39 = arith.constant 0 : index
      %swap3A_40 = arith.constant 0 : index
      %swap3A_41 = vector.load %arg5[%swap3A_39, %swap3A_40] : memref<128x2048xf32, #tpu.memory_space<vmem>>, vector<128x1024xf32>
      tpu.vector_store %arg5[%swap3A_39, %swap3A_40], %transpose3A {strides = array<i32>} : memref<128x2048xf32, #tpu.memory_space<vmem>>, vector<128x1024xf32>,
      %slice3A_42 = vector.extract_strided_slice %get3A_4 {offsets = [0, 1024], sizes = [128, 1024], strides = [1, 1]} : vector<128x2048xf32> to vector<128x1024xf32>
      %swap3A_43 = arith.constant 0 : index
      %swap3A_44 = arith.constant 1024 : index
      %swap3A_45 = vector.load %arg5[%swap3A_43, %swap3A_44] : memref<128x2048xf32, #tpu.memory_space<vmem>>, vector<128x1024xf32>
      tpu.vector_store %arg5[%swap3A_43, %swap3A_44], %slice3A_42 {strides = array<i32>} : memref<128x2048xf32, #tpu.memory_space<vmem>>, vector<128x1024xf32>,
    } else {
    }
    %gt3A = arith.constant 0 : i32
    %gt3A_16 = arith.cmpi sgt, %arg0, %gt3A : i32
    %convert_element_type3A_17 = arith.extui %gt3A_16 : i1 to i32
    %cond3A_18 = arith.constant 0 : i32
    %cond3A_19 = arith.cmpi ne, %convert_element_type3A_17, %cond3A_18 : i32
    scf.if %cond3A_19 {
      %swap3A_20 = arith.constant 0 : index
      %swap3A_21 = arith.constant 0 : index
      %swap3A_22 = vector.load %arg4[%swap3A_20, %swap3A_21] : memref<1024x2048xf32, #tpu.memory_space<vmem>>, vector<1024x2048xf32>
      tpu.vector_store %arg4[%swap3A_20, %swap3A_21], %mul3A_10 {strides = array<i32>} : memref<1024x2048xf32, #tpu.memory_space<vmem>>, vector<1024x2048xf32>,
      %swap3A_23 = arith.constant 0 : index
      %swap3A_24 = arith.constant 0 : index
      %swap3A_25 = vector.load %arg5[%swap3A_23, %swap3A_24] : memref<128x2048xf32, #tpu.memory_space<vmem>>, vector<128x2048xf32>
      tpu.vector_store %arg5[%swap3A_23, %swap3A_24], %get3A_4 {strides = array<i32>} : memref<128x2048xf32, #tpu.memory_space<vmem>>, vector<128x2048xf32>,
    } else {
    }
    return
  }
  func.func @transform_0(%arg0: i32) -> (i32, i32) {
    %c0_i32 = arith.constant 0 : i32
    %c0_i32_0 = arith.constant 0 : i32
    %c0_i32_1 = arith.constant 0 : i32
    return %c0_i32, %c0_i32_0 : i32, i32
  }
  func.func @transform_1(%arg0: i32) -> (i32, i32) {
    %c0_i32 = arith.constant 0 : i32
    %c0_i32_0 = arith.constant 0 : i32
    %c0_i32_1 = arith.constant 0 : i32
    return %c0_i32, %c0_i32_0 : i32, i32
  }
  func.func @transform_2(%arg0: i32) -> (i32, i32) {
    %min3A = arith.constant 15 : i32
    %min3A_0 = arith.minsi %arg0, %min3A : i32
    %c0_i32 = arith.constant 0 : i32
    %c0_i32_1 = arith.constant 0 : i32
    return %c0_i32, %min3A_0 : i32, i32
  }
  func.func @transform_3(%arg0: i32) -> (i32, i32) {
    %c0_i32 = arith.constant 0 : i32
    %c0_i32_0 = arith.constant 0 : i32
    return %c0_i32, %arg0 : i32, i32
  }
  func.func @transform_4(%arg0: i32) -> (i32, i32) {
    %min3A = arith.constant 15 : i32
    %min3A_0 = arith.minsi %arg0, %min3A : i32
    %c0_i32 = arith.constant 0 : i32
    %c0_i32_1 = arith.constant 0 : i32
    return %c0_i32, %min3A_0 : i32, i32
  }
}

module attributes {stable_mosaic.version = 14 : i64} {
  func.func @_finalize_body(%arg0: memref<1000x128xf32, #tpu.memory_space<vmem>>, %arg1: memref<1000x128xf32, #tpu.memory_space<vmem>>) attributes {dimension_semantics = [], scalar_prefetch = 0 : i64, scratch_operands = 0 : i64, tpu.core_type = #tpu.core_type<tc>} {
    %get3A = arith.constant 0 : index
    %get3A_0 = arith.constant 0 : index
    %get3A_1 = vector.load %arg0[%get3A, %get3A_0] : memref<1000x128xf32, #tpu.memory_space<vmem>>, vector<1000x128xf32>
    %mul3A = arith.mulf %get3A_1, %get3A_1 : vector<1000x128xf32>
    %reduce_sum3A = arith.constant dense<0.000000e+00> : vector<1000xf32>
    %reduce_sum3A_2 = vector.multi_reduction <add>, %mul3A, %reduce_sum3A [1] : vector<1000x128xf32> to vector<1000xf32>
    %broadcast_in_dim3A = vector.shape_cast %reduce_sum3A_2 : vector<1000xf32> to vector<1000x1xf32>
    %sqrt3A = math.sqrt %broadcast_in_dim3A : vector<1000x1xf32>
    %max3A = arith.constant 9.99999996E-13 : f32
    %max3A_3 = vector.broadcast %max3A : f32 to vector<1000x1xf32>
    %max3A_4 = arith.maximumf %sqrt3A, %max3A_3 : vector<1000x1xf32>
    %div3A = vector.broadcast %max3A_4 : vector<1000x1xf32> to vector<1000x128xf32>
    %div3A_5 = arith.divf %get3A_1, %div3A : vector<1000x128xf32>
    %swap3A = arith.constant 0 : index
    %swap3A_6 = arith.constant 0 : index
    %swap3A_7 = vector.load %arg1[%swap3A, %swap3A_6] : memref<1000x128xf32, #tpu.memory_space<vmem>>, vector<1000x128xf32>
    tpu.vector_store %arg1[%swap3A, %swap3A_6], %div3A_5 {strides = array<i32>} : memref<1000x128xf32, #tpu.memory_space<vmem>>, vector<1000x128xf32>,
    return
  }
}

</mosaic_0001>

<sc_bundles>
// kernel: kernel.6.cloned.1.call-start
scs
__scs_entry_jumppad:
0x0: {  	(pc) =	sbr.rel $0x88, $3  }
0x1: {  	(tag) =	ssettag $0x0;
	lr =	simm.s32 $0x1  }
0x2: {  	[smem:$0x3F9B] =	sst lr;
	_ =	strace $0xD0000000  }
0x3: {  	_ = 	snop  }
0x4: {  	_ = 	snop  }
0x5: {  	_ = 	snop  }
0x6: {  	_ = 	snop  }
0x7: {  	_ = 	snop  }
__scs_overlays_trampoline_lowered:
0x8: {  	[smem:$0x3FAA] =	sst s0  }
0x9: {  	[smem:$0x3FAB] =	sst s1  }
0xa: {  	[smem:$0x3FAC] =	sst s2  }
0xb: {  	[smem:$0x3FAD] =	sst s3  }
0xc: {  	[smem:$0x3FAE] =	sst s4  }
0xd: {  	[smem:$0x3FAF] =	sst s5  }
0xe: {  	[smem:$0x3FB0] =	sst s6  }
0xf: {  	[smem:$0x3FB1] =	sst s7  }
0x10: {  	[smem:$0x3FB2] =	sst s8  }
0x11: {  	[smem:$0x3FB3] =	sst s9;
	s0 =	simm.s32 @!p0 $0x0  }
0x12: {  	s1 =	sld [smem:$0x3F99];
	s0 =	simm.s32 @p0 $0x1  }
0x13: {  	[smem:$0x3FB4] =	sst s0;
	s0 =	simm.s32 @!p1 $0x0  }
0x14: {  	s2 =	sld [smem:$0x3F98];
	s0 =	simm.s32 @p1 $0x1  }
0x15: {  	[smem:$0x3FB5] =	sst s0;
	s0 =	simm.s32 @!p2 $0x0  }
0x16: {  	s3 =	sld [smem:$0x3FDB];
	s0 =	simm.s32 @p2 $0x1  }
0x17: {  	s4 =	simm.s32 $0x1BF5;
	[smem:$0x3FB7] =	sst s0  }
0x18: {  	s0 =	sld [smem:$0x3F9A];
	_ =	swait.ge [sflag:s4], $0x0  }
0x19: {  	s7 =	sld [smem:$0x3F9B]  }
0x1a: {  	s8 =	sadd.s32 $0xFFFFE003, lr  }
0x1b: {  	s9 =	sadd.s32 $0xFFFFFEF7, lr;
	s5 =	simm.s32 $0xFFFFFFFF;
	p2 =	slt.u32 s8, $0xFFFFF086  }
0x1c: {  	p1 =	slt.u32 s9, $0xF7A;
	s5 =	simm.s32 @!p2 $0x0  }
0x1d: {  	s5 =	simm.s32 @p1 $0x1;
	p0 =	seq.s32 s7, s2  }
0x1e: {  	s7 =	smul.u32 @!p0 $0xF7A, s2;
	p2 =	seq.s32 @!p0 s5, $0x0  }
0x1f: {  	s9 =	smul.u32 $0xF7A, s1;
	s8 =	simm.s32 @!p0 $0x1BF5;
	p2 =	por !p2, p0  }
0x20: {  	[sflag:s8] =	ssyncset.s32 @!p0 $0xFFFFF086;
	s6 =	sadd.s32 @!p0 s3, s7;
	s7 =	simm.s32 @!p0 $0x108  }
0x21: {  	s3 =	sadd.s32 s3, s9;
	s6 =	sadd.s32 @!p0 $0x88, s6;
	s7 =	simm.s32 @p2 $0x1082  }
0x22: {  	[simem:s7], [sflag:s8] =	dma.local @!p0 [hbm:s6], $0xF7A  }
0x23: {  	s9 =	sor.u32 $0xD0000000, s2;
	s6 =	simm.s32 $0x108;
	_ =	swait.ge @!p0 [sflag:s8], $0x0  }
0x24: {  	s3 =	sadd.s32 $0x88, s3;
	s6 =	simm.s32 @!p1 $0x1082;
	[sflag:s4] =	ssyncset.s32 $0xFFFFF086  }
0x25: {  	[simem:s6], [sflag:s4] =	dma.local [hbm:s3], $0xF7A  }
0x26: {  	[smem:$0x3F9B] =	sst s1;
	(tag) =	ssettag s2;
	_ =	strace s9  }
0x27: {  	s1 =	sld [smem:$0x3FAB]  }
0x28: {  	s2 =	sld [smem:$0x3FAC]  }
0x29: {  	s4 =	sld [smem:$0x3FAE]  }
0x2a: {  	p0 =	seq.s32 s5, $0x0;
	s5 =	sld [smem:$0x3FAF]  }
0x2b: {  	s6 =	sld [smem:$0x3FB0]  }
0x2c: {  	s7 =	sld [smem:$0x3FB1]  }
0x2d: {  	s3 =	simm.s32 $0x108;
	s8 =	sld [smem:$0x3FB2]  }
0x2e: {  	s3 =	simm.s32 @!p0 $0x1082;
	s9 =	sld [smem:$0x3FB3]  }
0x2f: {  	lr =	sadd.s32 s0, s3;
	s0 =	sld [smem:$0x3FAA]  }
0x30: {  	s3 =	sld [smem:$0x3FAD]  }
0x31: {  	[smem:$0x3FB6] =	sst s10  }
0x32: {  	s10 =	sld [smem:$0x3FB4];
	_ =	sdelay $0x3  }
0x33: {  	p0 =	seq.s32 s10, $0x1;
	s10 =	sld [smem:$0x3FB6];
	_ =	sdelay $0x3  }
0x34: {  	[smem:$0x3FB6] =	sst s10  }
0x35: {  	s10 =	sld [smem:$0x3FB5];
	_ =	sdelay $0x3  }
0x36: {  	p1 =	seq.s32 s10, $0x1;
	s10 =	sld [smem:$0x3FB6];
	_ =	sdelay $0x3  }
0x37: {  	[smem:$0x3FB6] =	sst s10  }
0x38: {  	s10 =	sld [smem:$0x3FB7]  }
0x39: {  	_ = 	snop;
	(pc) =	sbr.ind lr, $3  }
0x3a: {  	_ = 	snop  }
0x3b: {  	_ = 	snop  }
0x3c: {  	p2 =	seq.s32 s10, $0x1;
	s10 =	sld [smem:$0x3FB6]  }
0x3d: {  	_ =	shalt  }
0x3e: {  	_ =	shalt  }
0x3f: {  	_ =	shalt  }
0x40: {  	_ =	shalt  }
0x41: {  	_ =	shalt  }
0x42: {  	_ =	shalt  }
0x43: {  	_ =	shalt  }
0x44: {  	_ =	shalt  }
0x45: {  	_ =	shalt  }
0x46: {  	_ =	shalt  }
0x47: {  	_ =	shalt  }
0x48: {  	_ =	shalt  }
0x49: {  	_ =	shalt  }
0x4a: {  	_ =	shalt  }
0x4b: {  	_ =	shalt  }
0x4c: {  	_ =	shalt  }
0x4d: {  	_ =	shalt  }
0x4e: {  	_ =	shalt  }
0x4f: {  	_ =	shalt  }
0x50: {  	_ =	shalt  }
0x51: {  	_ =	shalt  }
0x52: {  	_ =	shalt  }
0x53: {  	_ =	shalt  }
0x54: {  	_ =	shalt  }
0x55: {  	_ =	shalt  }
0x56: {  	_ =	shalt  }
0x57: {  	_ =	shalt  }
0x58: {  	_ =	shalt  }
0x59: {  	_ =	shalt  }
0x5a: {  	_ =	shalt  }
0x5b: {  	_ =	shalt  }
0x5c: {  	_ =	shalt  }
0x5d: {  	_ =	shalt  }
0x5e: {  	_ =	shalt  }
0x5f: {  	_ =	shalt  }
0x60: {  	_ =	shalt  }
0x61: {  	_ =	shalt  }
0x62: {  	_ =	shalt  }
0x63: {  	_ =	shalt  }
0x64: {  	_ =	shalt  }
0x65: {  	_ =	shalt  }
0x66: {  	_ =	shalt  }
0x67: {  	_ =	shalt  }
0x68: {  	_ =	shalt  }
0x69: {  	_ =	shalt  }
0x6a: {  	_ =	shalt  }
0x6b: {  	_ =	shalt  }
0x6c: {  	_ =	shalt  }
0x6d: {  	_ =	shalt  }
0x6e: {  	_ =	shalt  }
0x6f: {  	_ =	shalt  }
0x70: {  	_ =	shalt  }
0x71: {  	_ =	shalt  }
0x72: {  	_ =	shalt  }
0x73: {  	_ =	shalt  }
0x74: {  	_ =	shalt  }
0x75: {  	_ =	shalt  }
0x76: {  	_ =	shalt  }
0x77: {  	_ =	shalt  }
0x78: {  	_ =	shalt  }
0x79: {  	_ =	shalt  }
0x7a: {  	_ =	shalt  }
0x7b: {  	_ =	shalt  }
0x7c: {  	_ =	shalt  }
0x7d: {  	_ =	shalt  }
0x7e: {  	_ =	shalt  }
0x7f: {  	_ =	shalt  }
0x80: {  	_ =	shalt  }
0x81: {  	_ =	shalt  }
0x82: {  	_ =	shalt  }
0x83: {  	_ =	shalt  }
0x84: {  	_ =	shalt  }
0x85: {  	_ =	shalt  }
0x86: {  	_ =	shalt  }
0x87: {  	_ =	shalt  }
.Lfunc_end0:
.L_simem_size_0:
called_computation_lowered:
.L_overlay_start_0:
0x88: {  	s2 =	sld [smem:$0x3FD9]  }
0x89: {  	s3 =	sld [smem:$0x3FFE];
	_ =	sdelay $0x1  }
0x8a: {  	s1 =	srdreg.scid  }
0x8b: {  	s0 =	sand.u32 $0x1, s1  }
0x8c: {  	s14 =	sshll.u32 s0, $0xA;
	s2 =	sadd.s32 s3, s2  }
0x8d: {  	s2 =	sadd.s32 s2, s14  }
0x8e: {  	[smem:$0x3FC2] =	sst s2  }
0x8f: {  	_ = 	snop  }
0x90: {  	s2 =	sld [smem:$0x3FD0];
	_ =	sdelay $0x2  }
0x91: {  	s4 =	simm.s32 $0xA;
	s5 =	simm.s32 $0x10;
	s15 =	sld [smem:$0x3FC4]  }
0x92: {  	[smem:s5], [sflag:s4] =	dma.local [hbm:s2], $0x1  }
0x93: {  	_ =	swait.eq [sflag:s4], $0x1  }
0x94: {  	[sflag:s4] =	ssyncset.done $0x0  }
0x95: {  	s16 =	sld [smem:$0x10];
	[sflag:s4] =	ssyncadd.s32 $0xFFFFFFFF  }
0x96: {  	s17 =	sld [smem:$0x16];
	(tm) =	ssettm $0x1  }
0x97: {  	s18 =	sld [smem:$0x3FFB];
	_ =	sdelay $0x3  }
0x98: {  	_ =	strace s18  }
0x99: {  	s5 =	sld [smem:$0x3FFC];
	_ =	sdelay $0x3  }
0x9a: {  	_ =	strace s5  }
0x9b: {  	s5 =	sld [smem:$0x3FFD];
	_ =	sdelay $0x3  }
0x9c: {  	_ =	strace s5  }
0x9d: {  	_ =	strace $0x8FFFFFFF  }
0x9e: {  	s19 =	sld [smem:$0x3FDB];
	_ =	sdelay $0x1  }
0x9f: {  	s6 =	simm.s32 $_scs_section_size  }
0xa0: {  	s7 =	simm.s32 $_size__tile_overlayer_lowered;
	s8 =	simm.s32 $_tile_overlayer_lowered  }
0xa1: {  	s22 =	simm.s32 $0x1BFF;
	s21 =	sshll.u32 s8, $0x1;
	s5 =	sadd.s32 s6, s19  }
0xa2: {  	s9 =	simm.s32 $0x0;
	s20 =	sshll.u32 s7, $0x1;
	s7 =	sadd.s32 s21, s5  }
0xa3: {  	[timem:s9], [sflag:s22] =	dma.local [hbm:s7], s20  }
0xa4: {  	_ =	swait.ge [sflag:s22], s20  }
0xa5: {  	s6 =	ssub.s32 $0x0, s20;
	[sflag:s22] =	ssyncset.done $0x0  }
0xa6: {  	[sflag:s22] =	ssyncadd.s32 s6;
	_ =	sdelay $0x1  }
0xa7: {  	s23 =	simm.s32 $0x1B8B  }
0xa8: {  	_ =	swait.ge [sflag:s23], $0x1  }
0xa9: {  	[sflag:s23] =	ssyncset.done $0x0  }
0xaa: {  	s25 =	simm.s32 $0x1B8E;
	s24 =	sld [smem:$0x3FFE];
	[sflag:s23] =	ssyncadd.s32 $0xFFFFFFFF  }
0xab: {  	s26 =	simm.s32 $execute0_lowered;
	[smem:$0x3FD2] =	sst s25  }
0xac: {  	s7 =	sshll.u32 s26, $0x1;
	_ =	strace $0x80000046;
	[dreg:$0x1] =	wrdreg $0xFFFFFFFF  }
0xad: {  	s28 =	simm.s32 $_size_execute0_lowered;
	s5 =	sadd.s32 s5, s7;
	[dreg:$0x0] =	wrdreg $0x0  }
0xae: {  	s7 =	sshll.u32 s28, $0x1;
	[dreg:$0x2] =	wrdreg s5  }
0xaf: {  	[dreg:$0x3] =	wrdreg s7  }
0xb0: {  	[dreg:$0x4] =	wrdreg $0xC0  }
0xb1: {  	_ =	task [dreg:s9], $0x5FFFF  }
0xb2: {  	[dreg:$0x1] =	wrdreg $0xFFFFFFFF  }
0xb3: {  	[dreg:$0x0] =	wrdreg $0x60  }
0xb4: {  	[dreg:$0x2] =	wrdreg s16  }
0xb5: {  	[dreg:$0x3] =	wrdreg s15  }
0xb6: {  	[dreg:$0x4] =	wrdreg s17  }
0xb7: {  	[dreg:$0x5] =	wrdreg s24  }
0xb8: {  	[dreg:$0x6] =	wrdreg $0x20800  }
0xb9: {  	[dreg:$0x7] =	wrdreg $0x9  }
0xba: {  	_ =	task.clear_ibuf [dreg:s9], $0x8FFFF;
	_ =	strace $0x90000046  }
0xbb: {  	s29 =	simm.s32 $0x9;
	_ =	strace $0x80000048  }
0xbc: {  	_ =	swait.ge [sflag:s29], $0x1  }
0xbd: {  	[sflag:s29] =	ssyncadd.s32 $0xFFFFFFFF  }
0xbe: {  	_ =	strace $0x90000048  }
0xbf: {  	_ =	sfence  }
0xc0: {  	s30 =	sld [smem:$0x0];
	_ =	sdelay $0x2  }
0xc1: {  	s31 =	sshll.u32 s1, $0xD;
	s1 =	sshrl.u32 s1, $0x2  }
0xc2: {  	s3 =	sand.u32 $0x4000, s31;
	s1 =	sadd.s32 s1, s30  }
0xc3: {  	s0 =	sor.u32 s3, s0;
	s1 =	sshll.u32 s1, $0x11  }
0xc4: {  	s0 =	sor.u32 s1, s0  }
0xc5: {  	s0 =	sadd.s32 $0x8F2B, s0  }
0xc6: {  	[sflag:s0] =	ssyncadd.remote.s32 $0x1  }
0xc7: {  	_ =	sfence.sel $0xFFFF  }
0xc8: {  	[dreg:$0x0] =	wrdreg $0xFFFFFFFF;
	(pc) =	sbr.abs _section_cstart, $3  }
0xc9: {  	[dreg:$0x1] =	wrdreg $0xFFFFFFFF  }
0xca: {  	_ =	task.clear_ibuf [dreg:s9], $0x2FFFF;
	_ =	strace $0x9FFFFFFF  }
0xcb: {  	(tm) =	ssettm $0x7FFFFFFF  }
tec
execute0_lowered:
.L_overlay_start_1:
0x0: {  	(tag) =	ssettag $0x1  }
0x1: {  	s1 =	rddreg [dreg:$0x0]  }
0x2: {  	s2 =	rddreg [dreg:$0x1]  }
0x3: {  	s3 =	rddreg [dreg:$0x2]  }
0x4: {  	s4 =	rddreg [dreg:$0x3]  }
0x5: {  	s5 =	rddreg [dreg:$0x4]  }
0x6: {  	s6 =	srdreg.scid;
	s0 =	rddreg [dreg:$0x5]  }
0x7: {  	s7 =	simm.s32 $0x0;
	s8 =	stileid.u32;
	s6 =	sand.u32 $0x1, s6  }
0x8: {  	[smem:$0x7FF] =	sst s7;
	s7 =	sadd.s32 $0x3C00, s3;
	p0 =	seq.s32 s6, $0x1  }
0x9: {  	s30 =	sshll.u32 s8, $0xA;
	s10 =	sshll.u32 s8, $0xD;
	p2 =	seq.s32 @!p0 s8, $0xF  }
0xa: {  	_ =	strace $0x80000047;
	s6 =	sadd.s32 $0x1E000, s5;
	p1 =	por !p2, p0  }
0xb: {  	s6 =	sshrl.u32 @!p1 s6, $0x3;
	s9 =	simm.s32 @!p1 $0x1FC1;
	s11 =	simm.s32 @!p1 $0x1  }
0xc: {  	[spmem:s6], [sflag:s9] =	dma.local @!p1 [hbm:s7], $0x280  }
0xd: {  	s10 =	sadd.s32 s10, s5;
	p2 =	por p2, p0;
	_ =	swait.ge @!p1 [sflag:s11], $0x280  }
0xe: {  	s3 =	sadd.s32 s3, s30;
	s12 =	sshll.u32 @!p2 s8, $0x6;
	[sflag:s11] =	ssyncset.done @!p1 $0x0  }
0xf: {  	s10 =	sshrl.u32 @!p2 s10, $0x3;
	s12 =	sor.u32 @!p2 $0x1C01, s12;
	[sflag:s11] =	ssyncadd.s32 @!p1 $0xFFFFFD80  }
0x10: {  	[spmem:s10], [sflag:s12] =	dma.local @!p2 [hbm:s3], $0x400  }
0x11: {  	s3 =	simm.s32 @!p2 $0x1  }
0x12: {  	s13 =	sshll.u32 s8, $0x3;
	_ =	swait.ge @!p2 [sflag:s3], $0x400  }
0x13: {  	s2 =	sadd.s32 s2, s13;
	[sflag:s3] =	ssyncset.done @!p2 $0x0  }
0x14: {  	s13 =	simm.s32 @!p0 $0x0;
	s14 =	simm.s32 @!p0 $0x2000;
	[sflag:s3] =	ssyncadd.s32 @!p2 $0xFFFFFC00  }
0x15: {  	[tilespmem:s14], [sflag:$0x1] =	stream.linear.gather @!p0 [hbm4b:s2+s13], $0x40, $0x38;
	[tilespmem:$0x3FC0] =	vst v63  }
0x16: {  	s2 =	simm.s32 @!p0 $0x1  }
0x17: {  	_ =	swait.ge @!p0 [sflag:s2], $0x40  }
0x18: {  	[sflag:s2] =	ssyncset.done @!p0 $0x0  }
0x19: {  	s1 =	sadd.s32 s1, s30;
	[sflag:s2] =	ssyncadd.s32 @!p0 $0xFFFFFFC0  }
0x1a: {  	[tilespmem:s13], [sflag:$0x1] =	stream.linear.gather @!p0 [hbm4b:s1+s13], $0x2000, $0x38;
	[tilespmem:$0x3FC0] =	vst v63  }
0x1b: {  	_ =	swait.ge @!p0 [sflag:s2], $0x2000  }
0x1c: {  	[sflag:s2] =	ssyncset.done @!p0 $0x0  }
0x1d: {  	[sflag:s2] =	ssyncadd.s32 @!p0 $0xFFFFE000  }
0x1e: {  	s1 =	simm.s32 @!p0 $0x40;
	[bflag:$0x0] =	sbarrier.arrive @!p0 $0xFFFF  }
0x1f: {  	[spmem:s5] =	stream.indirect.scatter.add.f32 @!p0 [tilespmem:s13], [sflag:$0x1], $0x80, s14, s1, $0xb8;
	[tilespmem:$0x3FC0] =	vst v63  }
0x20: {  	_ =	swait.ge @!p0 [sflag:s2], $0x2000  }
0x21: {  	[sflag:s2] =	ssyncset.done @!p0 $0x0  }
0x22: {  	s31 =	sadd.s32 s30, s4;
	[sflag:s2] =	ssyncadd.s32 @!p0 $0xFFFFE000  }
0x23: {  	s1 =	sadd.s32 $0x1E00, s31;
	[bflag:$0x0] =	sbarrier.arrive @!p0 $0xFFFF  }
0x24: {  	[hbm:s1], [sflag:s9] =	dma.local @!p1 [spmem:s6], $0x280  }
0x25: {  	_ =	swait.ge @!p1 [sflag:s11], $0x280  }
0x26: {  	[sflag:s11] =	ssyncset.done @!p1 $0x0  }
0x27: {  	[sflag:s11] =	ssyncadd.s32 @!p1 $0xFFFFFD80  }
0x28: {  	[hbm:s1], [sflag:s12] =	dma.local @!p2 [spmem:s10], $0x400  }
0x29: {  	_ =	swait.ge @!p2 [sflag:s3], $0x400  }
0x2a: {  	[sflag:s3] =	ssyncset.done @!p2 $0x0  }
0x2b: {  	[sflag:s3] =	ssyncadd.s32 @!p2 $0xFFFFFC00  }
0x2c: {  	_ =	sfence.sel $0x180000  }
0x2d: {  	[bflag:$0x0] =	sbarrier.arrive $0xFFFF  }
0x2e: {  	p0 =	sne.s32 s8, $0x0;
	_ =	strace $0x90000047  }
0x2f: {  	s0 =	sadd.s32 @!p0 $0x100000, s0;
	[bflag:$0x2] =	sbarrier.arrive $0xFFFF  }
0x30: {  	[sflag:s0] =	ssyncadd.tile.s32 @!p0 $0x1;
	_ =	shalt  }
.Lfunc_end2:
_tile_overlayer_lowered:
.L_overlay_start_2:
0x31: {  	(tag) =	ssettag $0x2  }
0x32: {  	s0 =	rddreg [dreg:$0x0];
	s2 =	stileid.u32  }
0x33: {  	s1 =	rddreg [dreg:$0x1];
	p0 =	sne.s32 s2, $0x0  }
0x34: {  	s3 =	rddreg [dreg:$0x2];
	[bflag:$0x3] =	sbarrier.arrive $0xFFFF;
	s2 =	simm.s32 @!p0 $0x1C01  }
0x35: {  	[timem:s3], [sflag:s2] =	dma.local @!p0 [hbm:s0], s1  }
0x36: {  	s0 =	simm.s32 @!p0 $0x1  }
0x37: {  	_ =	swait.ge @!p0 [sflag:s0], s1  }
0x38: {  	s1 =	ssub.s32 @!p0 $0x0, s1;
	[sflag:s0] =	ssyncset.done @!p0 $0x0  }
0x39: {  	[sflag:s0] =	ssyncadd.s32 @!p0 s1  }
0x3a: {  	[bflag:$0x3] =	sbarrier.arrive $0xFFFF  }
0x3b: {  	_ =	shalt  }

</sc_bundles>
